<compile_context>
chip_gen: v7x
topology: tpu7x:2x2x1
jax: 0.10.2.dev20260603
libtpu: 0.0.44.dev20260713+nightly
codegen_flags: <defaults>
</compile_context>

<pallas_src>
import jax
import jax.numpy as jnp
from jax import lax
from jax.experimental import pallas as pl
from jax.experimental.pallas import tpu as pltpu
from jax.experimental.pallas import tpu_sc as plsc

_M = 4096
_A = 50
_D = 128
_DP = 131
_B = _M * _A

_NC = 2
_NS = 16
_NW = _NC * _NS

_RPW = _B // _NW
_CH = 200
_NBUF = 4
_NCHUNK = _RPW // _CH
_NGROUP = _NCHUNK // _NBUF

_BM = 4


def _make_sc_gather():
    mesh = plsc.VectorSubcoreMesh(core_axis_name="c", subcore_axis_name="s")

    def body(tab_hbm, idx_hbm, out_hbm, idx_v, stages, gsems, osems):
        wid = lax.axis_index("s") * _NC + lax.axis_index("c")
        wbase = wid * _RPW

        pltpu.sync_copy(idx_hbm.at[pl.ds(wbase, _RPW)], idx_v)

        def issue(b, i):
            return pltpu.async_copy(
                tab_hbm.at[idx_v.at[pl.ds(i * _CH, _CH)]],
                stages[b],
                gsems[b],
            )

        def write_out(b, i, g):
            g.wait()
            return pltpu.async_copy(
                stages[b], out_hbm.at[pl.ds(wbase + i * _CH, _CH)], osems[b]
            )

        def wait_out(b):
            pltpu.make_async_copy(
                stages[b], out_hbm.at[pl.ds(wbase, _CH)], osems[b]
            ).wait()

        descs = [issue(b, b) for b in range(_NBUF)]
        for b in range(_NBUF):
            write_out(b, b, descs[b])

        def grp(g, carry):
            ds_ = []
            for b in range(_NBUF):
                wait_out(b)
                ds_.append(issue(b, g * _NBUF + b))
            for b in range(_NBUF):
                write_out(b, g * _NBUF + b, ds_[b])
            return carry

        lax.fori_loop(1, _NGROUP, grp, 0)

        for b in range(_NBUF):
            wait_out(b)

    return pl.kernel(
        body,
        out_type=jax.ShapeDtypeStruct((_B, _D), jnp.float32),
        mesh=mesh,
        scratch_types=[
            pltpu.VMEM((_RPW,), jnp.int32),
            [pltpu.VMEM((_CH, _D), jnp.float32) for _ in range(_NBUF)],
            [pltpu.SemaphoreType.DMA for _ in range(_NBUF)],
            [pltpu.SemaphoreType.DMA for _ in range(_NBUF)],
        ],
    )


_sc_gather = _make_sc_gather()


@jax.jit
def kernel(x, positions, token_emb):
    idx = x.astype(jnp.int32).reshape(_B)
    pos_flat = positions.reshape(_B, 3)
    emb = _sc_gather(token_emb, idx)
    return jnp.concatenate(
        [emb.reshape(_M, _A, _D), pos_flat.reshape(_M, _A, 3)], axis=-1
    )

# --- scband reference (transcript-rebuilt; emitter-appended) ---
"""Pipeline reference for scband-concatenated-embedding-50019189129230 (READ-ONLY COPY).

The authoritative reference and input builder live on the scoring server;
editing this copy changes nothing except your own understanding.
"""

import jax, jax.numpy as jnp
import numpy as np

NUM_TOKENS = 1000
D_MODEL = 128
M = 4096
A = 50

def setup_inputs(seed: int = 0) -> dict:
    key = jax.random.key(seed)
    k1, k2, k3 = jax.random.split(key, 3)
    x = jax.random.randint(k1, (M, A), 0, NUM_TOKENS, dtype=jnp.int64 if jax.config.jax_enable_x64 else jnp.int32)
    positions = jax.random.normal(k2, (M, A, 3), dtype=jnp.float32)
    token_emb = jax.random.normal(k3, (NUM_TOKENS, D_MODEL), dtype=jnp.float32) * 0.02
    return {"x": x, "positions": positions, "token_emb": token_emb}

def reference(x, positions, token_emb):
    # Embedding lookup: gather rows of the table by atomic number indices
    token_embeddings = jnp.take(token_emb, x, axis=0)  # [M, A, d_model]
    concatenated_emb = jnp.concatenate([token_embeddings, positions], axis=-1)  # [M, A, d_model + 3]
    return concatenated_emb

if __name__ == "__main__":
    import jax
    _d = setup_inputs()
    print(jax.jit(kernel)(*tuple(_d.values())))

</pallas_src>

<mosaic_0001>
#map = affine_map<(d0, d1) -> (0, 0)>
#map1 = affine_map<(d0, d1) -> (0)>
module attributes {stable_mosaic.version = 14 : i64} {
  func.func @body(%arg0: i32, %arg1: i32, %arg2: memref<1000x128xf32, #tpu.memory_space<hbm>>, %arg3: memref<204800xi32, #tpu.memory_space<hbm>>, %arg4: memref<204800x128xf32, #tpu.memory_space<hbm>>, %arg5: memref<6400xi32, #tpu.memory_space<vmem>>, %arg6: memref<200x128xf32, #tpu.memory_space<vmem>>, %arg7: memref<200x128xf32, #tpu.memory_space<vmem>>, %arg8: memref<200x128xf32, #tpu.memory_space<vmem>>, %arg9: memref<200x128xf32, #tpu.memory_space<vmem>>, %arg10: memref<!tpu.dma_semaphore, #tpu.memory_space<semaphore_mem>>, %arg11: memref<!tpu.dma_semaphore, #tpu.memory_space<semaphore_mem>>, %arg12: memref<!tpu.dma_semaphore, #tpu.memory_space<semaphore_mem>>, %arg13: memref<!tpu.dma_semaphore, #tpu.memory_space<semaphore_mem>>, %arg14: memref<!tpu.dma_semaphore, #tpu.memory_space<semaphore_mem>>, %arg15: memref<!tpu.dma_semaphore, #tpu.memory_space<semaphore_mem>>, %arg16: memref<!tpu.dma_semaphore, #tpu.memory_space<semaphore_mem>>, %arg17: memref<!tpu.dma_semaphore, #tpu.memory_space<semaphore_mem>>) attributes {dimension_semantics = [#tpu.dimension_semantics<core_parallel>, #tpu.dimension_semantics<subcore_parallel>], iteration_bounds = array<i64: 2, 16>, scalar_prefetch = 0 : i64, scratch_operands = 13 : i64, tpu.core_type = #tpu.core_type<sc_vector_subcore>, window_params = [{transform_indices = #map}, {transform_indices = #map1}, {transform_indices = #map}]} {
    %mul3A = arith.constant 2 : i32
    %mul3A_0 = arith.muli %arg1, %mul3A : i32
    %add3A = arith.addi %mul3A_0, %arg0 : i32
    %mul3A_1 = arith.constant 6400 : i32
    %mul3A_2 = arith.muli %add3A, %mul3A_1 : i32
    "tpu.region"() ({
      %run_scoped3A = tpu.sem_alloc : memref<!tpu.dma_semaphore, #tpu.memory_space<semaphore_mem>>
      %dma_start3A_86 = tpu.memref_slice %arg3[%mul3A_2] : memref<204800xi32, #tpu.memory_space<hbm>> -> memref<6400xi32, #tpu.memory_space<hbm>>
      %dma_start3A_87 = tpu.memref_slice %arg3[%mul3A_2] : memref<204800xi32, #tpu.memory_space<hbm>> -> memref<6400xi32, #tpu.memory_space<hbm>>
      tpu.enqueue_dma source(%dma_start3A_87 : memref<6400xi32, #tpu.memory_space<hbm>>) target(%arg5 : memref<6400xi32, #tpu.memory_space<vmem>>) target_semaphore(%run_scoped3A : memref<!tpu.dma_semaphore, #tpu.memory_space<semaphore_mem>>)
      %dma_wait3A_88 = tpu.memref_slice %arg3[%mul3A_2] : memref<204800xi32, #tpu.memory_space<hbm>> -> memref<6400xi32, #tpu.memory_space<hbm>>
      %dma_wait3A_89 = tpu.memref_slice %arg3[%mul3A_2] : memref<204800xi32, #tpu.memory_space<hbm>> -> memref<6400xi32, #tpu.memory_space<hbm>>
      tpu.wait_dma2 semaphore(%run_scoped3A : memref<!tpu.dma_semaphore, #tpu.memory_space<semaphore_mem>>) src(%dma_wait3A_89 : memref<6400xi32, #tpu.memory_space<hbm>>) dst(%arg5 : memref<6400xi32, #tpu.memory_space<vmem>>)
      tpu.yield
    }) : () -> ()
    %dma_start3A = arith.constant 0 : i32
    %dma_start3A_3 = tpu.memref_slice %arg5[%dma_start3A] : memref<6400xi32, #tpu.memory_space<vmem>> -> memref<200xi32, #tpu.memory_space<vmem>>
    %dma_start3A_4 = arith.constant 0 : i32
    %dma_start3A_5 = arith.constant 0 : i32
    %dma_start3A_6 = tpu.memref_slice %arg2[%dma_start3A_4, %dma_start3A_5] : memref<1000x128xf32, #tpu.memory_space<hbm>> -> memref<1000x128xf32, #tpu.memory_space<hbm>>
    tpu.enqueue_indirect_dma source(%dma_start3A_6 : memref<1000x128xf32, #tpu.memory_space<hbm>>) target(%arg6 : memref<200x128xf32, #tpu.memory_space<vmem>>) offsets(%dma_start3A_3 : memref<200xi32, #tpu.memory_space<vmem>>) semaphore(%arg10 : memref<!tpu.dma_semaphore, #tpu.memory_space<semaphore_mem>>)
    %dma_start3A_7 = arith.constant 200 : i32
    %dma_start3A_8 = tpu.memref_slice %arg5[%dma_start3A_7] : memref<6400xi32, #tpu.memory_space<vmem>> -> memref<200xi32, #tpu.memory_space<vmem>>
    %dma_start3A_9 = arith.constant 0 : i32
    %dma_start3A_10 = arith.constant 0 : i32
    %dma_start3A_11 = tpu.memref_slice %arg2[%dma_start3A_9, %dma_start3A_10] : memref<1000x128xf32, #tpu.memory_space<hbm>> -> memref<1000x128xf32, #tpu.memory_space<hbm>>
    tpu.enqueue_indirect_dma source(%dma_start3A_11 : memref<1000x128xf32, #tpu.memory_space<hbm>>) target(%arg7 : memref<200x128xf32, #tpu.memory_space<vmem>>) offsets(%dma_start3A_8 : memref<200xi32, #tpu.memory_space<vmem>>) semaphore(%arg11 : memref<!tpu.dma_semaphore, #tpu.memory_space<semaphore_mem>>)
    %dma_start3A_12 = arith.constant 400 : i32
    %dma_start3A_13 = tpu.memref_slice %arg5[%dma_start3A_12] : memref<6400xi32, #tpu.memory_space<vmem>> -> memref<200xi32, #tpu.memory_space<vmem>>
    %dma_start3A_14 = arith.constant 0 : i32
    %dma_start3A_15 = arith.constant 0 : i32
    %dma_start3A_16 = tpu.memref_slice %arg2[%dma_start3A_14, %dma_start3A_15] : memref<1000x128xf32, #tpu.memory_space<hbm>> -> memref<1000x128xf32, #tpu.memory_space<hbm>>
    tpu.enqueue_indirect_dma source(%dma_start3A_16 : memref<1000x128xf32, #tpu.memory_space<hbm>>) target(%arg8 : memref<200x128xf32, #tpu.memory_space<vmem>>) offsets(%dma_start3A_13 : memref<200xi32, #tpu.memory_space<vmem>>) semaphore(%arg12 : memref<!tpu.dma_semaphore, #tpu.memory_space<semaphore_mem>>)
    %dma_start3A_17 = arith.constant 600 : i32
    %dma_start3A_18 = tpu.memref_slice %arg5[%dma_start3A_17] : memref<6400xi32, #tpu.memory_space<vmem>> -> memref<200xi32, #tpu.memory_space<vmem>>
    %dma_start3A_19 = arith.constant 0 : i32
    %dma_start3A_20 = arith.constant 0 : i32
    %dma_start3A_21 = tpu.memref_slice %arg2[%dma_start3A_19, %dma_start3A_20] : memref<1000x128xf32, #tpu.memory_space<hbm>> -> memref<1000x128xf32, #tpu.memory_space<hbm>>
    tpu.enqueue_indirect_dma source(%dma_start3A_21 : memref<1000x128xf32, #tpu.memory_space<hbm>>) target(%arg9 : memref<200x128xf32, #tpu.memory_space<vmem>>) offsets(%dma_start3A_18 : memref<200xi32, #tpu.memory_space<vmem>>) semaphore(%arg13 : memref<!tpu.dma_semaphore, #tpu.memory_space<semaphore_mem>>)
    %dma_wait3A = arith.constant 0 : i32
    %dma_wait3A_22 = tpu.memref_slice %arg5[%dma_wait3A] : memref<6400xi32, #tpu.memory_space<vmem>> -> memref<200xi32, #tpu.memory_space<vmem>>
    %dma_wait3A_23 = arith.constant 0 : i32
    %dma_wait3A_24 = arith.constant 0 : i32
    %dma_wait3A_25 = tpu.memref_slice %arg2[%dma_wait3A_23, %dma_wait3A_24] : memref<1000x128xf32, #tpu.memory_space<hbm>> -> memref<1000x128xf32, #tpu.memory_space<hbm>>
    tpu.wait_indirect_dma semaphore(%arg10 : memref<!tpu.dma_semaphore, #tpu.memory_space<semaphore_mem>>) src(%dma_wait3A_25 : memref<1000x128xf32, #tpu.memory_space<hbm>>) dst(%arg6 : memref<200x128xf32, #tpu.memory_space<vmem>>)
    %add3A_26 = arith.constant 0 : i32
    %add3A_27 = arith.addi %mul3A_2, %add3A_26 : i32
    %dma_start3A_28 = arith.constant 0 : i32
    %dma_start3A_29 = tpu.memref_slice %arg4[%add3A_27, %dma_start3A_28] : memref<204800x128xf32, #tpu.memory_space<hbm>> -> memref<200x128xf32, #tpu.memory_space<hbm>>
    %dma_start3A_30 = arith.constant 0 : i32
    %dma_start3A_31 = tpu.memref_slice %arg4[%add3A_27, %dma_start3A_30] : memref<204800x128xf32, #tpu.memory_space<hbm>> -> memref<200x128xf32, #tpu.memory_space<hbm>>
    tpu.enqueue_dma source(%arg6 : memref<200x128xf32, #tpu.memory_space<vmem>>) target(%dma_start3A_31 : memref<200x128xf32, #tpu.memory_space<hbm>>) target_semaphore(%arg14 : memref<!tpu.dma_semaphore, #tpu.memory_space<semaphore_mem>>)
    %dma_wait3A_32 = arith.constant 200 : i32
    %dma_wait3A_33 = tpu.memref_slice %arg5[%dma_wait3A_32] : memref<6400xi32, #tpu.memory_space<vmem>> -> memref<200xi32, #tpu.memory_space<vmem>>
    %dma_wait3A_34 = arith.constant 0 : i32
    %dma_wait3A_35 = arith.constant 0 : i32
    %dma_wait3A_36 = tpu.memref_slice %arg2[%dma_wait3A_34, %dma_wait3A_35] : memref<1000x128xf32, #tpu.memory_space<hbm>> -> memref<1000x128xf32, #tpu.memory_space<hbm>>
    tpu.wait_indirect_dma semaphore(%arg11 : memref<!tpu.dma_semaphore, #tpu.memory_space<semaphore_mem>>) src(%dma_wait3A_36 : memref<1000x128xf32, #tpu.memory_space<hbm>>) dst(%arg7 : memref<200x128xf32, #tpu.memory_space<vmem>>)
    %add3A_37 = arith.constant 200 : i32
    %add3A_38 = arith.addi %mul3A_2, %add3A_37 : i32
    %dma_start3A_39 = arith.constant 0 : i32
    %dma_start3A_40 = tpu.memref_slice %arg4[%add3A_38, %dma_start3A_39] : memref<204800x128xf32, #tpu.memory_space<hbm>> -> memref<200x128xf32, #tpu.memory_space<hbm>>
    %dma_start3A_41 = arith.constant 0 : i32
    %dma_start3A_42 = tpu.memref_slice %arg4[%add3A_38, %dma_start3A_41] : memref<204800x128xf32, #tpu.memory_space<hbm>> -> memref<200x128xf32, #tpu.memory_space<hbm>>
    tpu.enqueue_dma source(%arg7 : memref<200x128xf32, #tpu.memory_space<vmem>>) target(%dma_start3A_42 : memref<200x128xf32, #tpu.memory_space<hbm>>) target_semaphore(%arg15 : memref<!tpu.dma_semaphore, #tpu.memory_space<semaphore_mem>>)
    %dma_wait3A_43 = arith.constant 400 : i32
    %dma_wait3A_44 = tpu.memref_slice %arg5[%dma_wait3A_43] : memref<6400xi32, #tpu.memory_space<vmem>> -> memref<200xi32, #tpu.memory_space<vmem>>
    %dma_wait3A_45 = arith.constant 0 : i32
    %dma_wait3A_46 = arith.constant 0 : i32
    %dma_wait3A_47 = tpu.memref_slice %arg2[%dma_wait3A_45, %dma_wait3A_46] : memref<1000x128xf32, #tpu.memory_space<hbm>> -> memref<1000x128xf32, #tpu.memory_space<hbm>>
    tpu.wait_indirect_dma semaphore(%arg12 : memref<!tpu.dma_semaphore, #tpu.memory_space<semaphore_mem>>) src(%dma_wait3A_47 : memref<1000x128xf32, #tpu.memory_space<hbm>>) dst(%arg8 : memref<200x128xf32, #tpu.memory_space<vmem>>)
    %add3A_48 = arith.constant 400 : i32
    %add3A_49 = arith.addi %mul3A_2, %add3A_48 : i32
    %dma_start3A_50 = arith.constant 0 : i32
    %dma_start3A_51 = tpu.memref_slice %arg4[%add3A_49, %dma_start3A_50] : memref<204800x128xf32, #tpu.memory_space<hbm>> -> memref<200x128xf32, #tpu.memory_space<hbm>>
    %dma_start3A_52 = arith.constant 0 : i32
    %dma_start3A_53 = tpu.memref_slice %arg4[%add3A_49, %dma_start3A_52] : memref<204800x128xf32, #tpu.memory_space<hbm>> -> memref<200x128xf32, #tpu.memory_space<hbm>>
    tpu.enqueue_dma source(%arg8 : memref<200x128xf32, #tpu.memory_space<vmem>>) target(%dma_start3A_53 : memref<200x128xf32, #tpu.memory_space<hbm>>) target_semaphore(%arg16 : memref<!tpu.dma_semaphore, #tpu.memory_space<semaphore_mem>>)
    %dma_wait3A_54 = arith.constant 600 : i32
    %dma_wait3A_55 = tpu.memref_slice %arg5[%dma_wait3A_54] : memref<6400xi32, #tpu.memory_space<vmem>> -> memref<200xi32, #tpu.memory_space<vmem>>
    %dma_wait3A_56 = arith.constant 0 : i32
    %dma_wait3A_57 = arith.constant 0 : i32
    %dma_wait3A_58 = tpu.memref_slice %arg2[%dma_wait3A_56, %dma_wait3A_57] : memref<1000x128xf32, #tpu.memory_space<hbm>> -> memref<1000x128xf32, #tpu.memory_space<hbm>>
    tpu.wait_indirect_dma semaphore(%arg13 : memref<!tpu.dma_semaphore, #tpu.memory_space<semaphore_mem>>) src(%dma_wait3A_58 : memref<1000x128xf32, #tpu.memory_space<hbm>>) dst(%arg9 : memref<200x128xf32, #tpu.memory_space<vmem>>)
    %add3A_59 = arith.constant 600 : i32
    %add3A_60 = arith.addi %mul3A_2, %add3A_59 : i32
    %dma_start3A_61 = arith.constant 0 : i32
    %dma_start3A_62 = tpu.memref_slice %arg4[%add3A_60, %dma_start3A_61] : memref<204800x128xf32, #tpu.memory_space<hbm>> -> memref<200x128xf32, #tpu.memory_space<hbm>>
    %dma_start3A_63 = arith.constant 0 : i32
    %dma_start3A_64 = tpu.memref_slice %arg4[%add3A_60, %dma_start3A_63] : memref<204800x128xf32, #tpu.memory_space<hbm>> -> memref<200x128xf32, #tpu.memory_space<hbm>>
    tpu.enqueue_dma source(%arg9 : memref<200x128xf32, #tpu.memory_space<vmem>>) target(%dma_start3A_64 : memref<200x128xf32, #tpu.memory_space<hbm>>) target_semaphore(%arg17 : memref<!tpu.dma_semaphore, #tpu.memory_space<semaphore_mem>>)
    %scan3A = arith.constant 0 : i32
    %scan3A_65 = arith.constant 1 : i32
    %scan3A_66 = arith.constant 7 : i32
    %scan3A_67 = arith.addi %scan3A_65, %scan3A_66 : i32
    %scan3A_68 = arith.constant 1 : i32
    scf.for %scan3A_86 = %scan3A_65 to %scan3A_67 step %scan3A_68  : i32 {
      %dma_wait3A_87 = arith.constant 0 : i32
      %dma_wait3A_88 = tpu.memref_slice %arg4[%mul3A_2, %dma_wait3A_87] : memref<204800x128xf32, #tpu.memory_space<hbm>> -> memref<200x128xf32, #tpu.memory_space<hbm>>
      %dma_wait3A_89 = arith.constant 0 : i32
      %dma_wait3A_90 = tpu.memref_slice %arg4[%mul3A_2, %dma_wait3A_89] : memref<204800x128xf32, #tpu.memory_space<hbm>> -> memref<200x128xf32, #tpu.memory_space<hbm>>
      tpu.wait_dma2 semaphore(%arg14 : memref<!tpu.dma_semaphore, #tpu.memory_space<semaphore_mem>>) src(%arg6 : memref<200x128xf32, #tpu.memory_space<vmem>>) dst(%dma_wait3A_90 : memref<200x128xf32, #tpu.memory_space<hbm>>)
      %mul3A_91 = arith.constant 4 : i32
      %mul3A_92 = arith.muli %scan3A_86, %mul3A_91 : i32
      %add3A_93 = arith.constant 0 : i32
      %add3A_94 = arith.addi %mul3A_92, %add3A_93 : i32
      %mul3A_95 = arith.constant 200 : i32
      %mul3A_96 = arith.muli %add3A_94, %mul3A_95 : i32
      %dma_start3A_97 = tpu.memref_slice %arg5[%mul3A_96] : memref<6400xi32, #tpu.memory_space<vmem>> -> memref<200xi32, #tpu.memory_space<vmem>>
      %dma_start3A_98 = arith.constant 0 : i32
      %dma_start3A_99 = arith.constant 0 : i32
      %dma_start3A_100 = tpu.memref_slice %arg2[%dma_start3A_98, %dma_start3A_99] : memref<1000x128xf32, #tpu.memory_space<hbm>> -> memref<1000x128xf32, #tpu.memory_space<hbm>>
      tpu.enqueue_indirect_dma source(%dma_start3A_100 : memref<1000x128xf32, #tpu.memory_space<hbm>>) target(%arg6 : memref<200x128xf32, #tpu.memory_space<vmem>>) offsets(%dma_start3A_97 : memref<200xi32, #tpu.memory_space<vmem>>) semaphore(%arg10 : memref<!tpu.dma_semaphore, #tpu.memory_space<semaphore_mem>>)
      %dma_wait3A_101 = arith.constant 0 : i32
      %dma_wait3A_102 = tpu.memref_slice %arg4[%mul3A_2, %dma_wait3A_101] : memref<204800x128xf32, #tpu.memory_space<hbm>> -> memref<200x128xf32, #tpu.memory_space<hbm>>
      %dma_wait3A_103 = arith.constant 0 : i32
      %dma_wait3A_104 = tpu.memref_slice %arg4[%mul3A_2, %dma_wait3A_103] : memref<204800x128xf32, #tpu.memory_space<hbm>> -> memref<200x128xf32, #tpu.memory_space<hbm>>
      tpu.wait_dma2 semaphore(%arg15 : memref<!tpu.dma_semaphore, #tpu.memory_space<semaphore_mem>>) src(%arg7 : memref<200x128xf32, #tpu.memory_space<vmem>>) dst(%dma_wait3A_104 : memref<200x128xf32, #tpu.memory_space<hbm>>)
      %mul3A_105 = arith.constant 4 : i32
      %mul3A_106 = arith.muli %scan3A_86, %mul3A_105 : i32
      %add3A_107 = arith.constant 1 : i32
      %add3A_108 = arith.addi %mul3A_106, %add3A_107 : i32
      %mul3A_109 = arith.constant 200 : i32
      %mul3A_110 = arith.muli %add3A_108, %mul3A_109 : i32
      %dma_start3A_111 = tpu.memref_slice %arg5[%mul3A_110] : memref<6400xi32, #tpu.memory_space<vmem>> -> memref<200xi32, #tpu.memory_space<vmem>>
      %dma_start3A_112 = arith.constant 0 : i32
      %dma_start3A_113 = arith.constant 0 : i32
      %dma_start3A_114 = tpu.memref_slice %arg2[%dma_start3A_112, %dma_start3A_113] : memref<1000x128xf32, #tpu.memory_space<hbm>> -> memref<1000x128xf32, #tpu.memory_space<hbm>>
      tpu.enqueue_indirect_dma source(%dma_start3A_114 : memref<1000x128xf32, #tpu.memory_space<hbm>>) target(%arg7 : memref<200x128xf32, #tpu.memory_space<vmem>>) offsets(%dma_start3A_111 : memref<200xi32, #tpu.memory_space<vmem>>) semaphore(%arg11 : memref<!tpu.dma_semaphore, #tpu.memory_space<semaphore_mem>>)
      %dma_wait3A_115 = arith.constant 0 : i32
      %dma_wait3A_116 = tpu.memref_slice %arg4[%mul3A_2, %dma_wait3A_115] : memref<204800x128xf32, #tpu.memory_space<hbm>> -> memref<200x128xf32, #tpu.memory_space<hbm>>
      %dma_wait3A_117 = arith.constant 0 : i32
      %dma_wait3A_118 = tpu.memref_slice %arg4[%mul3A_2, %dma_wait3A_117] : memref<204800x128xf32, #tpu.memory_space<hbm>> -> memref<200x128xf32, #tpu.memory_space<hbm>>
      tpu.wait_dma2 semaphore(%arg16 : memref<!tpu.dma_semaphore, #tpu.memory_space<semaphore_mem>>) src(%arg8 : memref<200x128xf32, #tpu.memory_space<vmem>>) dst(%dma_wait3A_118 : memref<200x128xf32, #tpu.memory_space<hbm>>)
      %mul3A_119 = arith.constant 4 : i32
      %mul3A_120 = arith.muli %scan3A_86, %mul3A_119 : i32
      %add3A_121 = arith.constant 2 : i32
      %add3A_122 = arith.addi %mul3A_120, %add3A_121 : i32
      %mul3A_123 = arith.constant 200 : i32
      %mul3A_124 = arith.muli %add3A_122, %mul3A_123 : i32
      %dma_start3A_125 = tpu.memref_slice %arg5[%mul3A_124] : memref<6400xi32, #tpu.memory_space<vmem>> -> memref<200xi32, #tpu.memory_space<vmem>>
      %dma_start3A_126 = arith.constant 0 : i32
      %dma_start3A_127 = arith.constant 0 : i32
      %dma_start3A_128 = tpu.memref_slice %arg2[%dma_start3A_126, %dma_start3A_127] : memref<1000x128xf32, #tpu.memory_space<hbm>> -> memref<1000x128xf32, #tpu.memory_space<hbm>>
      tpu.enqueue_indirect_dma source(%dma_start3A_128 : memref<1000x128xf32, #tpu.memory_space<hbm>>) target(%arg8 : memref<200x128xf32, #tpu.memory_space<vmem>>) offsets(%dma_start3A_125 : memref<200xi32, #tpu.memory_space<vmem>>) semaphore(%arg12 : memref<!tpu.dma_semaphore, #tpu.memory_space<semaphore_mem>>)
      %dma_wait3A_129 = arith.constant 0 : i32
      %dma_wait3A_130 = tpu.memref_slice %arg4[%mul3A_2, %dma_wait3A_129] : memref<204800x128xf32, #tpu.memory_space<hbm>> -> memref<200x128xf32, #tpu.memory_space<hbm>>
      %dma_wait3A_131 = arith.constant 0 : i32
      %dma_wait3A_132 = tpu.memref_slice %arg4[%mul3A_2, %dma_wait3A_131] : memref<204800x128xf32, #tpu.memory_space<hbm>> -> memref<200x128xf32, #tpu.memory_space<hbm>>
      tpu.wait_dma2 semaphore(%arg17 : memref<!tpu.dma_semaphore, #tpu.memory_space<semaphore_mem>>) src(%arg9 : memref<200x128xf32, #tpu.memory_space<vmem>>) dst(%dma_wait3A_132 : memref<200x128xf32, #tpu.memory_space<hbm>>)
      %mul3A_133 = arith.constant 4 : i32
      %mul3A_134 = arith.muli %scan3A_86, %mul3A_133 : i32
      %add3A_135 = arith.constant 3 : i32
      %add3A_136 = arith.addi %mul3A_134, %add3A_135 : i32
      %mul3A_137 = arith.constant 200 : i32
      %mul3A_138 = arith.muli %add3A_136, %mul3A_137 : i32
      %dma_start3A_139 = tpu.memref_slice %arg5[%mul3A_138] : memref<6400xi32, #tpu.memory_space<vmem>> -> memref<200xi32, #tpu.memory_space<vmem>>
      %dma_start3A_140 = arith.constant 0 : i32
      %dma_start3A_141 = arith.constant 0 : i32
      %dma_start3A_142 = tpu.memref_slice %arg2[%dma_start3A_140, %dma_start3A_141] : memref<1000x128xf32, #tpu.memory_space<hbm>> -> memref<1000x128xf32, #tpu.memory_space<hbm>>
      tpu.enqueue_indirect_dma source(%dma_start3A_142 : memref<1000x128xf32, #tpu.memory_space<hbm>>) target(%arg9 : memref<200x128xf32, #tpu.memory_space<vmem>>) offsets(%dma_start3A_139 : memref<200xi32, #tpu.memory_space<vmem>>) semaphore(%arg13 : memref<!tpu.dma_semaphore, #tpu.memory_space<semaphore_mem>>)
      %mul3A_143 = arith.constant 4 : i32
      %mul3A_144 = arith.muli %scan3A_86, %mul3A_143 : i32
      %add3A_145 = arith.constant 0 : i32
      %add3A_146 = arith.addi %mul3A_144, %add3A_145 : i32
      %dma_wait3A_147 = tpu.memref_slice %arg5[%mul3A_96] : memref<6400xi32, #tpu.memory_space<vmem>> -> memref<200xi32, #tpu.memory_space<vmem>>
      %dma_wait3A_148 = arith.constant 0 : i32
      %dma_wait3A_149 = arith.constant 0 : i32
      %dma_wait3A_150 = tpu.memref_slice %arg2[%dma_wait3A_148, %dma_wait3A_149] : memref<1000x128xf32, #tpu.memory_space<hbm>> -> memref<1000x128xf32, #tpu.memory_space<hbm>>
      tpu.wait_indirect_dma semaphore(%arg10 : memref<!tpu.dma_semaphore, #tpu.memory_space<semaphore_mem>>) src(%dma_wait3A_150 : memref<1000x128xf32, #tpu.memory_space<hbm>>) dst(%arg6 : memref<200x128xf32, #tpu.memory_space<vmem>>)
      %mul3A_151 = arith.constant 200 : i32
      %mul3A_152 = arith.muli %add3A_146, %mul3A_151 : i32
      %add3A_153 = arith.addi %mul3A_2, %mul3A_152 : i32
      %dma_start3A_154 = arith.constant 0 : i32
      %dma_start3A_155 = tpu.memref_slice %arg4[%add3A_153, %dma_start3A_154] : memref<204800x128xf32, #tpu.memory_space<hbm>> -> memref<200x128xf32, #tpu.memory_space<hbm>>
      %dma_start3A_156 = arith.constant 0 : i32
      %dma_start3A_157 = tpu.memref_slice %arg4[%add3A_153, %dma_start3A_156] : memref<204800x128xf32, #tpu.memory_space<hbm>> -> memref<200x128xf32, #tpu.memory_space<hbm>>
      tpu.enqueue_dma source(%arg6 : memref<200x128xf32, #tpu.memory_space<vmem>>) target(%dma_start3A_157 : memref<200x128xf32, #tpu.memory_space<hbm>>) target_semaphore(%arg14 : memref<!tpu.dma_semaphore, #tpu.memory_space<semaphore_mem>>)
      %mul3A_158 = arith.constant 4 : i32
      %mul3A_159 = arith.muli %scan3A_86, %mul3A_158 : i32
      %add3A_160 = arith.constant 1 : i32
      %add3A_161 = arith.addi %mul3A_159, %add3A_160 : i32
      %dma_wait3A_162 = tpu.memref_slice %arg5[%mul3A_110] : memref<6400xi32, #tpu.memory_space<vmem>> -> memref<200xi32, #tpu.memory_space<vmem>>
      %dma_wait3A_163 = arith.constant 0 : i32
      %dma_wait3A_164 = arith.constant 0 : i32
      %dma_wait3A_165 = tpu.memref_slice %arg2[%dma_wait3A_163, %dma_wait3A_164] : memref<1000x128xf32, #tpu.memory_space<hbm>> -> memref<1000x128xf32, #tpu.memory_space<hbm>>
      tpu.wait_indirect_dma semaphore(%arg11 : memref<!tpu.dma_semaphore, #tpu.memory_space<semaphore_mem>>) src(%dma_wait3A_165 : memref<1000x128xf32, #tpu.memory_space<hbm>>) dst(%arg7 : memref<200x128xf32, #tpu.memory_space<vmem>>)
      %mul3A_166 = arith.constant 200 : i32
      %mul3A_167 = arith.muli %add3A_161, %mul3A_166 : i32
      %add3A_168 = arith.addi %mul3A_2, %mul3A_167 : i32
      %dma_start3A_169 = arith.constant 0 : i32
      %dma_start3A_170 = tpu.memref_slice %arg4[%add3A_168, %dma_start3A_169] : memref<204800x128xf32, #tpu.memory_space<hbm>> -> memref<200x128xf32, #tpu.memory_space<hbm>>
      %dma_start3A_171 = arith.constant 0 : i32
      %dma_start3A_172 = tpu.memref_slice %arg4[%add3A_168, %dma_start3A_171] : memref<204800x128xf32, #tpu.memory_space<hbm>> -> memref<200x128xf32, #tpu.memory_space<hbm>>
      tpu.enqueue_dma source(%arg7 : memref<200x128xf32, #tpu.memory_space<vmem>>) target(%dma_start3A_172 : memref<200x128xf32, #tpu.memory_space<hbm>>) target_semaphore(%arg15 : memref<!tpu.dma_semaphore, #tpu.memory_space<semaphore_mem>>)
      %mul3A_173 = arith.constant 4 : i32
      %mul3A_174 = arith.muli %scan3A_86, %mul3A_173 : i32
      %add3A_175 = arith.constant 2 : i32
      %add3A_176 = arith.addi %mul3A_174, %add3A_175 : i32
      %dma_wait3A_177 = tpu.memref_slice %arg5[%mul3A_124] : memref<6400xi32, #tpu.memory_space<vmem>> -> memref<200xi32, #tpu.memory_space<vmem>>
      %dma_wait3A_178 = arith.constant 0 : i32
      %dma_wait3A_179 = arith.constant 0 : i32
      %dma_wait3A_180 = tpu.memref_slice %arg2[%dma_wait3A_178, %dma_wait3A_179] : memref<1000x128xf32, #tpu.memory_space<hbm>> -> memref<1000x128xf32, #tpu.memory_space<hbm>>
      tpu.wait_indirect_dma semaphore(%arg12 : memref<!tpu.dma_semaphore, #tpu.memory_space<semaphore_mem>>) src(%dma_wait3A_180 : memref<1000x128xf32, #tpu.memory_space<hbm>>) dst(%arg8 : memref<200x128xf32, #tpu.memory_space<vmem>>)
      %mul3A_181 = arith.constant 200 : i32
      %mul3A_182 = arith.muli %add3A_176, %mul3A_181 : i32
      %add3A_183 = arith.addi %mul3A_2, %mul3A_182 : i32
      %dma_start3A_184 = arith.constant 0 : i32
      %dma_start3A_185 = tpu.memref_slice %arg4[%add3A_183, %dma_start3A_184] : memref<204800x128xf32, #tpu.memory_space<hbm>> -> memref<200x128xf32, #tpu.memory_space<hbm>>
      %dma_start3A_186 = arith.constant 0 : i32
      %dma_start3A_187 = tpu.memref_slice %arg4[%add3A_183, %dma_start3A_186] : memref<204800x128xf32, #tpu.memory_space<hbm>> -> memref<200x128xf32, #tpu.memory_space<hbm>>
      tpu.enqueue_dma source(%arg8 : memref<200x128xf32, #tpu.memory_space<vmem>>) target(%dma_start3A_187 : memref<200x128xf32, #tpu.memory_space<hbm>>) target_semaphore(%arg16 : memref<!tpu.dma_semaphore, #tpu.memory_space<semaphore_mem>>)
      %mul3A_188 = arith.constant 4 : i32
      %mul3A_189 = arith.muli %scan3A_86, %mul3A_188 : i32
      %add3A_190 = arith.constant 3 : i32
      %add3A_191 = arith.addi %mul3A_189, %add3A_190 : i32
      %dma_wait3A_192 = tpu.memref_slice %arg5[%mul3A_138] : memref<6400xi32, #tpu.memory_space<vmem>> -> memref<200xi32, #tpu.memory_space<vmem>>
      %dma_wait3A_193 = arith.constant 0 : i32
      %dma_wait3A_194 = arith.constant 0 : i32
      %dma_wait3A_195 = tpu.memref_slice %arg2[%dma_wait3A_193, %dma_wait3A_194] : memref<1000x128xf32, #tpu.memory_space<hbm>> -> memref<1000x128xf32, #tpu.memory_space<hbm>>
      tpu.wait_indirect_dma semaphore(%arg13 : memref<!tpu.dma_semaphore, #tpu.memory_space<semaphore_mem>>) src(%dma_wait3A_195 : memref<1000x128xf32, #tpu.memory_space<hbm>>) dst(%arg9 : memref<200x128xf32, #tpu.memory_space<vmem>>)
      %mul3A_196 = arith.constant 200 : i32
      %mul3A_197 = arith.muli %add3A_191, %mul3A_196 : i32
      %add3A_198 = arith.addi %mul3A_2, %mul3A_197 : i32
      %dma_start3A_199 = arith.constant 0 : i32
      %dma_start3A_200 = tpu.memref_slice %arg4[%add3A_198, %dma_start3A_199] : memref<204800x128xf32, #tpu.memory_space<hbm>> -> memref<200x128xf32, #tpu.memory_space<hbm>>
      %dma_start3A_201 = arith.constant 0 : i32
      %dma_start3A_202 = tpu.memref_slice %arg4[%add3A_198, %dma_start3A_201] : memref<204800x128xf32, #tpu.memory_space<hbm>> -> memref<200x128xf32, #tpu.memory_space<hbm>>
      tpu.enqueue_dma source(%arg9 : memref<200x128xf32, #tpu.memory_space<vmem>>) target(%dma_start3A_202 : memref<200x128xf32, #tpu.memory_space<hbm>>) target_semaphore(%arg17 : memref<!tpu.dma_semaphore, #tpu.memory_space<semaphore_mem>>)
    }
    %scan3A_69 = arith.constant 7 : i32
    %dma_wait3A_70 = arith.constant 0 : i32
    %dma_wait3A_71 = tpu.memref_slice %arg4[%mul3A_2, %dma_wait3A_70] : memref<204800x128xf32, #tpu.memory_space<hbm>> -> memref<200x128xf32, #tpu.memory_space<hbm>>
    %dma_wait3A_72 = arith.constant 0 : i32
    %dma_wait3A_73 = tpu.memref_slice %arg4[%mul3A_2, %dma_wait3A_72] : memref<204800x128xf32, #tpu.memory_space<hbm>> -> memref<200x128xf32, #tpu.memory_space<hbm>>
    tpu.wait_dma2 semaphore(%arg14 : memref<!tpu.dma_semaphore, #tpu.memory_space<semaphore_mem>>) src(%arg6 : memref<200x128xf32, #tpu.memory_space<vmem>>) dst(%dma_wait3A_73 : memref<200x128xf32, #tpu.memory_space<hbm>>)
    %dma_wait3A_74 = arith.constant 0 : i32
    %dma_wait3A_75 = tpu.memref_slice %arg4[%mul3A_2, %dma_wait3A_74] : memref<204800x128xf32, #tpu.memory_space<hbm>> -> memref<200x128xf32, #tpu.memory_space<hbm>>
    %dma_wait3A_76 = arith.constant 0 : i32
    %dma_wait3A_77 = tpu.memref_slice %arg4[%mul3A_2, %dma_wait3A_76] : memref<204800x128xf32, #tpu.memory_space<hbm>> -> memref<200x128xf32, #tpu.memory_space<hbm>>
    tpu.wait_dma2 semaphore(%arg15 : memref<!tpu.dma_semaphore, #tpu.memory_space<semaphore_mem>>) src(%arg7 : memref<200x128xf32, #tpu.memory_space<vmem>>) dst(%dma_wait3A_77 : memref<200x128xf32, #tpu.memory_space<hbm>>)
    %dma_wait3A_78 = arith.constant 0 : i32
    %dma_wait3A_79 = tpu.memref_slice %arg4[%mul3A_2, %dma_wait3A_78] : memref<204800x128xf32, #tpu.memory_space<hbm>> -> memref<200x128xf32, #tpu.memory_space<hbm>>
    %dma_wait3A_80 = arith.constant 0 : i32
    %dma_wait3A_81 = tpu.memref_slice %arg4[%mul3A_2, %dma_wait3A_80] : memref<204800x128xf32, #tpu.memory_space<hbm>> -> memref<200x128xf32, #tpu.memory_space<hbm>>
    tpu.wait_dma2 semaphore(%arg16 : memref<!tpu.dma_semaphore, #tpu.memory_space<semaphore_mem>>) src(%arg8 : memref<200x128xf32, #tpu.memory_space<vmem>>) dst(%dma_wait3A_81 : memref<200x128xf32, #tpu.memory_space<hbm>>)
    %dma_wait3A_82 = arith.constant 0 : i32
    %dma_wait3A_83 = tpu.memref_slice %arg4[%mul3A_2, %dma_wait3A_82] : memref<204800x128xf32, #tpu.memory_space<hbm>> -> memref<200x128xf32, #tpu.memory_space<hbm>>
    %dma_wait3A_84 = arith.constant 0 : i32
    %dma_wait3A_85 = tpu.memref_slice %arg4[%mul3A_2, %dma_wait3A_84] : memref<204800x128xf32, #tpu.memory_space<hbm>> -> memref<200x128xf32, #tpu.memory_space<hbm>>
    tpu.wait_dma2 semaphore(%arg17 : memref<!tpu.dma_semaphore, #tpu.memory_space<semaphore_mem>>) src(%arg9 : memref<200x128xf32, #tpu.memory_space<vmem>>) dst(%dma_wait3A_85 : memref<200x128xf32, #tpu.memory_space<hbm>>)
    return
  }
}

</mosaic_0001>

<sc_bundles>
// kernel: kernel.3.cloned.1.call-start
scs
__scs_entry_jumppad:
0x0: {  	(pc) =	sbr.rel $0x88, $3  }
0x1: {  	(tag) =	ssettag $0x0;
	lr =	simm.s32 $0x1  }
0x2: {  	[smem:$0x3F9E] =	sst lr;
	_ =	strace $0xD0000000  }
0x3: {  	_ = 	snop  }
0x4: {  	_ = 	snop  }
0x5: {  	_ = 	snop  }
0x6: {  	_ = 	snop  }
0x7: {  	_ = 	snop  }
__scs_overlays_trampoline_lowered:
0x8: {  	[smem:$0x3FAD] =	sst s0  }
0x9: {  	[smem:$0x3FAE] =	sst s1  }
0xa: {  	[smem:$0x3FAF] =	sst s2  }
0xb: {  	[smem:$0x3FB0] =	sst s3  }
0xc: {  	[smem:$0x3FB1] =	sst s4  }
0xd: {  	[smem:$0x3FB2] =	sst s5  }
0xe: {  	[smem:$0x3FB3] =	sst s6  }
0xf: {  	[smem:$0x3FB4] =	sst s7  }
0x10: {  	[smem:$0x3FB5] =	sst s8  }
0x11: {  	[smem:$0x3FB6] =	sst s9;
	s0 =	simm.s32 @!p0 $0x0  }
0x12: {  	s1 =	sld [smem:$0x3F9C];
	s0 =	simm.s32 @p0 $0x1  }
0x13: {  	[smem:$0x3FB7] =	sst s0;
	s0 =	simm.s32 @!p1 $0x0  }
0x14: {  	s2 =	sld [smem:$0x3F9B];
	s0 =	simm.s32 @p1 $0x1  }
0x15: {  	[smem:$0x3FB8] =	sst s0;
	s0 =	simm.s32 @!p2 $0x0  }
0x16: {  	s3 =	sld [smem:$0x3FDB];
	s0 =	simm.s32 @p2 $0x1  }
0x17: {  	s4 =	simm.s32 $0x1BF5;
	[smem:$0x3FBA] =	sst s0  }
0x18: {  	s0 =	sld [smem:$0x3F9D];
	_ =	swait.ge [sflag:s4], $0x0  }
0x19: {  	s7 =	sld [smem:$0x3F9E]  }
0x1a: {  	s8 =	sadd.s32 $0xFFFFE003, lr  }
0x1b: {  	s9 =	sadd.s32 $0xFFFFFEF7, lr;
	s5 =	simm.s32 $0xFFFFFFFF;
	p2 =	slt.u32 s8, $0xFFFFF086  }
0x1c: {  	p1 =	slt.u32 s9, $0xF7A;
	s5 =	simm.s32 @!p2 $0x0  }
0x1d: {  	s5 =	simm.s32 @p1 $0x1;
	p0 =	seq.s32 s7, s2  }
0x1e: {  	s7 =	smul.u32 @!p0 $0xF7A, s2;
	p2 =	seq.s32 @!p0 s5, $0x0  }
0x1f: {  	s9 =	smul.u32 $0xF7A, s1;
	s8 =	simm.s32 @!p0 $0x1BF5;
	p2 =	por !p2, p0  }
0x20: {  	[sflag:s8] =	ssyncset.s32 @!p0 $0xFFFFF086;
	s6 =	sadd.s32 @!p0 s3, s7;
	s7 =	simm.s32 @!p0 $0x108  }
0x21: {  	s3 =	sadd.s32 s3, s9;
	s6 =	sadd.s32 @!p0 $0x88, s6;
	s7 =	simm.s32 @p2 $0x1082  }
0x22: {  	[simem:s7], [sflag:s8] =	dma.local @!p0 [hbm:s6], $0xF7A  }
0x23: {  	s9 =	sor.u32 $0xD0000000, s2;
	s6 =	simm.s32 $0x108;
	_ =	swait.ge @!p0 [sflag:s8], $0x0  }
0x24: {  	s3 =	sadd.s32 $0x88, s3;
	s6 =	simm.s32 @!p1 $0x1082;
	[sflag:s4] =	ssyncset.s32 $0xFFFFF086  }
0x25: {  	[simem:s6], [sflag:s4] =	dma.local [hbm:s3], $0xF7A  }
0x26: {  	[smem:$0x3F9E] =	sst s1;
	(tag) =	ssettag s2;
	_ =	strace s9  }
0x27: {  	s1 =	sld [smem:$0x3FAE]  }
0x28: {  	s2 =	sld [smem:$0x3FAF]  }
0x29: {  	s4 =	sld [smem:$0x3FB1]  }
0x2a: {  	p0 =	seq.s32 s5, $0x0;
	s5 =	sld [smem:$0x3FB2]  }
0x2b: {  	s6 =	sld [smem:$0x3FB3]  }
0x2c: {  	s7 =	sld [smem:$0x3FB4]  }
0x2d: {  	s3 =	simm.s32 $0x108;
	s8 =	sld [smem:$0x3FB5]  }
0x2e: {  	s3 =	simm.s32 @!p0 $0x1082;
	s9 =	sld [smem:$0x3FB6]  }
0x2f: {  	lr =	sadd.s32 s0, s3;
	s0 =	sld [smem:$0x3FAD]  }
0x30: {  	s3 =	sld [smem:$0x3FB0]  }
0x31: {  	[smem:$0x3FB9] =	sst s10  }
0x32: {  	s10 =	sld [smem:$0x3FB7];
	_ =	sdelay $0x3  }
0x33: {  	p0 =	seq.s32 s10, $0x1;
	s10 =	sld [smem:$0x3FB9];
	_ =	sdelay $0x3  }
0x34: {  	[smem:$0x3FB9] =	sst s10  }
0x35: {  	s10 =	sld [smem:$0x3FB8];
	_ =	sdelay $0x3  }
0x36: {  	p1 =	seq.s32 s10, $0x1;
	s10 =	sld [smem:$0x3FB9];
	_ =	sdelay $0x3  }
0x37: {  	[smem:$0x3FB9] =	sst s10  }
0x38: {  	s10 =	sld [smem:$0x3FBA]  }
0x39: {  	_ = 	snop;
	(pc) =	sbr.ind lr, $3  }
0x3a: {  	_ = 	snop  }
0x3b: {  	_ = 	snop  }
0x3c: {  	p2 =	seq.s32 s10, $0x1;
	s10 =	sld [smem:$0x3FB9]  }
0x3d: {  	_ =	shalt  }
0x3e: {  	_ =	shalt  }
0x3f: {  	_ =	shalt  }
0x40: {  	_ =	shalt  }
0x41: {  	_ =	shalt  }
0x42: {  	_ =	shalt  }
0x43: {  	_ =	shalt  }
0x44: {  	_ =	shalt  }
0x45: {  	_ =	shalt  }
0x46: {  	_ =	shalt  }
0x47: {  	_ =	shalt  }
0x48: {  	_ =	shalt  }
0x49: {  	_ =	shalt  }
0x4a: {  	_ =	shalt  }
0x4b: {  	_ =	shalt  }
0x4c: {  	_ =	shalt  }
0x4d: {  	_ =	shalt  }
0x4e: {  	_ =	shalt  }
0x4f: {  	_ =	shalt  }
0x50: {  	_ =	shalt  }
0x51: {  	_ =	shalt  }
0x52: {  	_ =	shalt  }
0x53: {  	_ =	shalt  }
0x54: {  	_ =	shalt  }
0x55: {  	_ =	shalt  }
0x56: {  	_ =	shalt  }
0x57: {  	_ =	shalt  }
0x58: {  	_ =	shalt  }
0x59: {  	_ =	shalt  }
0x5a: {  	_ =	shalt  }
0x5b: {  	_ =	shalt  }
0x5c: {  	_ =	shalt  }
0x5d: {  	_ =	shalt  }
0x5e: {  	_ =	shalt  }
0x5f: {  	_ =	shalt  }
0x60: {  	_ =	shalt  }
0x61: {  	_ =	shalt  }
0x62: {  	_ =	shalt  }
0x63: {  	_ =	shalt  }
0x64: {  	_ =	shalt  }
0x65: {  	_ =	shalt  }
0x66: {  	_ =	shalt  }
0x67: {  	_ =	shalt  }
0x68: {  	_ =	shalt  }
0x69: {  	_ =	shalt  }
0x6a: {  	_ =	shalt  }
0x6b: {  	_ =	shalt  }
0x6c: {  	_ =	shalt  }
0x6d: {  	_ =	shalt  }
0x6e: {  	_ =	shalt  }
0x6f: {  	_ =	shalt  }
0x70: {  	_ =	shalt  }
0x71: {  	_ =	shalt  }
0x72: {  	_ =	shalt  }
0x73: {  	_ =	shalt  }
0x74: {  	_ =	shalt  }
0x75: {  	_ =	shalt  }
0x76: {  	_ =	shalt  }
0x77: {  	_ =	shalt  }
0x78: {  	_ =	shalt  }
0x79: {  	_ =	shalt  }
0x7a: {  	_ =	shalt  }
0x7b: {  	_ =	shalt  }
0x7c: {  	_ =	shalt  }
0x7d: {  	_ =	shalt  }
0x7e: {  	_ =	shalt  }
0x7f: {  	_ =	shalt  }
0x80: {  	_ =	shalt  }
0x81: {  	_ =	shalt  }
0x82: {  	_ =	shalt  }
0x83: {  	_ =	shalt  }
0x84: {  	_ =	shalt  }
0x85: {  	_ =	shalt  }
0x86: {  	_ =	shalt  }
0x87: {  	_ =	shalt  }
.Lfunc_end0:
.L_simem_size_0:
called_computation.1_lowered:
.L_overlay_start_0:
0x88: {  	s2 =	sld [smem:$0x3FD9]  }
0x89: {  	s3 =	sld [smem:$0x3FFE];
	_ =	sdelay $0x1  }
0x8a: {  	s1 =	srdreg.scid  }
0x8b: {  	s0 =	sand.u32 $0x1, s1  }
0x8c: {  	s17 =	sshll.u32 s0, $0xA;
	s2 =	sadd.s32 s3, s2  }
0x8d: {  	s2 =	sadd.s32 s2, s17  }
0x8e: {  	[smem:$0x3FC5] =	sst s2  }
0x8f: {  	_ = 	snop  }
0x90: {  	s2 =	sld [smem:$0x3FC7]  }
0x91: {  	s18 =	sld [smem:$0x3FD0];
	(tm) =	ssettm $0x1  }
0x92: {  	s4 =	sld [smem:$0x3FFB];
	_ =	sdelay $0x3  }
0x93: {  	_ =	strace s4  }
0x94: {  	s4 =	sld [smem:$0x3FFC];
	_ =	sdelay $0x3  }
0x95: {  	_ =	strace s4  }
0x96: {  	s4 =	sld [smem:$0x3FFD];
	_ =	sdelay $0x3  }
0x97: {  	_ =	strace s4  }
0x98: {  	_ =	strace $0x8FFFFFFF  }
0x99: {  	s19 =	sld [smem:$0x3FDB];
	_ =	sdelay $0x1  }
0x9a: {  	s5 =	simm.s32 $_scs_section_size  }
0x9b: {  	s6 =	simm.s32 $_size__tile_overlayer_lowered;
	s7 =	simm.s32 $_tile_overlayer_lowered  }
0x9c: {  	s22 =	simm.s32 $0x1BFF;
	s21 =	sshll.u32 s7, $0x1;
	s4 =	sadd.s32 s5, s19  }
0x9d: {  	s8 =	simm.s32 $0x0;
	s20 =	sshll.u32 s6, $0x1;
	s6 =	sadd.s32 s21, s4  }
0x9e: {  	[timem:s8], [sflag:s22] =	dma.local [hbm:s6], s20  }
0x9f: {  	_ =	swait.ge [sflag:s22], s20  }
0xa0: {  	s5 =	ssub.s32 $0x0, s20;
	[sflag:s22] =	ssyncset.done $0x0  }
0xa1: {  	[sflag:s22] =	ssyncadd.s32 s5;
	_ =	sdelay $0x1  }
0xa2: {  	s23 =	simm.s32 $0x1B8B  }
0xa3: {  	_ =	swait.ge [sflag:s23], $0x1  }
0xa4: {  	[sflag:s23] =	ssyncset.done $0x0  }
0xa5: {  	s25 =	simm.s32 $0x1B8E;
	s24 =	sld [smem:$0x3FFE];
	[sflag:s23] =	ssyncadd.s32 $0xFFFFFFFF  }
0xa6: {  	s26 =	simm.s32 $execute0_lowered;
	[smem:$0x3FD2] =	sst s25  }
0xa7: {  	s6 =	sshll.u32 s26, $0x1;
	_ =	strace $0x80000046;
	[dreg:$0x1] =	wrdreg $0xFFFFFFFF  }
0xa8: {  	s28 =	simm.s32 $_size_execute0_lowered;
	s4 =	sadd.s32 s4, s6;
	[dreg:$0x0] =	wrdreg $0x0  }
0xa9: {  	s6 =	sshll.u32 s28, $0x1;
	[dreg:$0x2] =	wrdreg s4  }
0xaa: {  	[dreg:$0x3] =	wrdreg s6  }
0xab: {  	[dreg:$0x4] =	wrdreg $0xC0  }
0xac: {  	_ =	task [dreg:s8], $0x5FFFF  }
0xad: {  	[dreg:$0x1] =	wrdreg $0xFFFFFFFF  }
0xae: {  	[dreg:$0x0] =	wrdreg $0x60  }
0xaf: {  	[dreg:$0x2] =	wrdreg s2  }
0xb0: {  	[dreg:$0x3] =	wrdreg s24  }
0xb1: {  	[dreg:$0x4] =	wrdreg s18  }
0xb2: {  	[dreg:$0x5] =	wrdreg $0x9  }
0xb3: {  	_ =	task.clear_ibuf [dreg:s8], $0x6FFFF;
	_ =	strace $0x90000046  }
0xb4: {  	s29 =	simm.s32 $0x9;
	_ =	strace $0x80000048  }
0xb5: {  	_ =	swait.ge [sflag:s29], $0x1  }
0xb6: {  	[sflag:s29] =	ssyncadd.s32 $0xFFFFFFFF  }
0xb7: {  	_ =	strace $0x90000048  }
0xb8: {  	_ =	sfence  }
0xb9: {  	s30 =	sld [smem:$0x0];
	_ =	sdelay $0x2  }
0xba: {  	s31 =	sshll.u32 s1, $0xD;
	s1 =	sshrl.u32 s1, $0x2  }
0xbb: {  	s3 =	sand.u32 $0x4000, s31;
	s1 =	sadd.s32 s1, s30  }
0xbc: {  	s0 =	sor.u32 s3, s0;
	s1 =	sshll.u32 s1, $0x11  }
0xbd: {  	s0 =	sor.u32 s1, s0  }
0xbe: {  	s0 =	sadd.s32 $0x8F2B, s0  }
0xbf: {  	[sflag:s0] =	ssyncadd.remote.s32 $0x1  }
0xc0: {  	_ =	sfence.sel $0xFFFF  }
0xc1: {  	[dreg:$0x0] =	wrdreg $0xFFFFFFFF;
	(pc) =	sbr.abs _section_cstart, $3  }
0xc2: {  	[dreg:$0x1] =	wrdreg $0xFFFFFFFF  }
0xc3: {  	_ =	task.clear_ibuf [dreg:s8], $0x2FFFF;
	_ =	strace $0x9FFFFFFF  }
0xc4: {  	(tm) =	ssettm $0x7FFFFFFF  }
0xc5: {  	_ =	shalt  }
tec
execute0_lowered:
.L_overlay_start_1:
0x0: {  	(tag) =	ssettag $0x1  }
0x1: {  	s1 =	rddreg [dreg:$0x0]  }
0x2: {  	s4 =	rddreg [dreg:$0x1];
	s2 =	srdreg.scid  }
0x3: {  	s0 =	stileid.u32;
	s10 =	rddreg [dreg:$0x2];
	s3 =	simm.s32 $0x0  }
0x4: {  	s14 =	simm.s32 $0x7D00;
	s15 =	simm.s32 $0x190;
	s16 =	simm.s32 $0xE100  }
0x5: {  	s17 =	simm.s32 $0x258;
	s18 =	simm.s32 $0x14500;
	s19 =	simm.s32 $0x1  }
0x6: {  	s20 =	simm.s32 $0x2;
	s21 =	simm.s32 $0x3;
	s22 =	simm.s32 $0x4  }
0x7: {  	s23 =	simm.s32 $0x5;
	s8 =	sand.u32 $0x1, s2;
	s5 =	sshll.u32 s0, $0x1  }
0x8: {  	s24 =	simm.s32 $0x6;
	s12 =	smul.u32 $0x32000, s0;
	s5 =	sor.u32 s8, s5  }
0x9: {  	s25 =	simm.s32 $0x7;
	s26 =	simm.s32 $0x8;
	s6 =	smul.u32 $0x1900, s5  }
0xa: {  	s28 =	simm.s32 $0x0;
	s7 =	ssub.s32 $0x2, s8;
	s9 =	smul.u32 $0xC8000, s5  }
0xb: {  	[smem:$0x7FF] =	sst s3;
	s30 =	sshrl.u32 s7, $0x1;
	s5 =	smul.u32 $0x19000, s5  }
0xc: {  	_ =	strace $0x80000047;
	s13 =	smul.u32 $0x19000, s8;
	s11 =	ssub.s32 s7, s30  }
0xd: {  	s6 =	sshrl.u32 s6, $0x3;
	s31 =	sshrl.u32 s9, $0x3;
	s5 =	sadd.s32 s10, s5  }
0xe: {  	s4 =	sadd.s32 s6, s4;
	s9 =	sadd.s32 s10, s31;
	s6 =	sadd.s32 $0xC80, s5  }
0xf: {  	s10 =	sadd.s32 s12, s10;
	s12 =	simm.s32 $0xC8;
	s4 =	sadd.s32 $0xA00, s4  }
0x10: {  	s7 =	sadd.s32 $0x1900, s9;
	s8 =	sadd.s32 $0x2580, s9;
	s9 =	smax.u32 s11, $0x1  }
0x11: {  	s10 =	sadd.s32 s13, s10;
	s11 =	simm.s32 $0x9;
	s13 =	simm.s32 $0x1900  }
.LBB2_1:
0x12: {  	[tilespmem:s3], [sflag:$0x9] =	stream.linear.gather [hbm4b:s4+s3], $0x1900, $0x38;
	[tilespmem:$0x1A900] =	vst v63  }
0x13: {  	_ =	swait.ge [sflag:s11], $0x1900  }
0x14: {  	[sflag:s11] =	ssyncset.done $0x0  }
0x15: {  	[sflag:s11] =	ssyncadd.s32 $0xFFFFE700  }
0x16: {  	[tilespmem:s13], [sflag:$0x1] =	stream.indirect.gather [hbm4b:s1+s12], $0x80, s3, s12, $0xb8;
	[tilespmem:$0x1A900] =	vst v63  }
0x17: {  	_ = 	snop  }
0x18: {  	[tilespmem:s14], [sflag:$0x2] =	stream.indirect.gather [hbm4b:s1+s12], $0x80, s12, s12, $0xb8;
	[tilespmem:$0x1A900] =	vst v63  }
0x19: {  	_ = 	snop  }
0x1a: {  	[tilespmem:s16], [sflag:$0x3] =	stream.indirect.gather [hbm4b:s1+s12], $0x80, s15, s12, $0xb8;
	[tilespmem:$0x1A900] =	vst v63  }
0x1b: {  	_ = 	snop  }
0x1c: {  	[tilespmem:s18], [sflag:$0x4] =	stream.indirect.gather [hbm4b:s1+s12], $0x80, s17, s12, $0xb8;
	[tilespmem:$0x1A900] =	vst v63  }
0x1d: {  	_ =	swait.ge [sflag:s19], $0x6400  }
0x1e: {  	[sflag:s19] =	ssyncset.done $0x0  }
0x1f: {  	[sflag:s19] =	ssyncadd.s32 $0xFFFF9C00  }
0x20: {  	[hbm4b:s5+s3] =	stream.linear.scatter [tilespmem:s13], [sflag:$0x5], $0x6400, $0x38;
	[tilespmem:$0x1A900] =	vst v63  }
0x21: {  	_ =	swait.ge [sflag:s20], $0x6400  }
0x22: {  	[sflag:s20] =	ssyncset.done $0x0  }
0x23: {  	[sflag:s20] =	ssyncadd.s32 $0xFFFF9C00  }
0x24: {  	[hbm4b:s6+s3] =	stream.linear.scatter [tilespmem:s14], [sflag:$0x6], $0x6400, $0x38;
	[tilespmem:$0x1A900] =	vst v63  }
0x25: {  	_ =	swait.ge [sflag:s21], $0x6400  }
0x26: {  	[sflag:s21] =	ssyncset.done $0x0  }
0x27: {  	[sflag:s21] =	ssyncadd.s32 $0xFFFF9C00  }
0x28: {  	[hbm4b:s7+s3] =	stream.linear.scatter [tilespmem:s16], [sflag:$0x7], $0x6400, $0x38;
	[tilespmem:$0x1A900] =	vst v63  }
0x29: {  	_ =	swait.ge [sflag:s22], $0x6400  }
0x2a: {  	[sflag:s22] =	ssyncset.done $0x0  }
0x2b: {  	[sflag:s22] =	ssyncadd.s32 $0xFFFF9C00  }
0x2c: {  	[hbm4b:s8+s3] =	stream.linear.scatter [tilespmem:s18], [sflag:$0x8], $0x6400, $0x38;
	[tilespmem:$0x1A900] =	vst v63  }
0x2d: {  	_ =	swait.ge [sflag:s23], $0x6400  }
0x2e: {  	[sflag:s23] =	ssyncset.done $0x0  }
0x2f: {  	s29 =	simm.s32 $0x320;
	[sflag:s23] =	ssyncadd.s32 $0xFFFF9C00  }
0x30: {  	[tilespmem:s13], [sflag:$0x1] =	stream.indirect.gather [hbm4b:s1+s12], $0x80, s29, s12, $0xb8;
	[tilespmem:$0x1A900] =	vst v63  }
0x31: {  	_ =	swait.ge [sflag:s24], $0x6400  }
0x32: {  	[sflag:s24] =	ssyncset.done $0x0  }
0x33: {  	s29 =	simm.s32 $0x3E8;
	[sflag:s24] =	ssyncadd.s32 $0xFFFF9C00  }
0x34: {  	[tilespmem:s14], [sflag:$0x2] =	stream.indirect.gather [hbm4b:s1+s12], $0x80, s29, s12, $0xb8;
	[tilespmem:$0x1A900] =	vst v63  }
0x35: {  	_ =	swait.ge [sflag:s25], $0x6400  }
0x36: {  	[sflag:s25] =	ssyncset.done $0x0  }
0x37: {  	s29 =	simm.s32 $0x4B0;
	[sflag:s25] =	ssyncadd.s32 $0xFFFF9C00  }
0x38: {  	[tilespmem:s16], [sflag:$0x3] =	stream.indirect.gather [hbm4b:s1+s12], $0x80, s29, s12, $0xb8;
	[tilespmem:$0x1A900] =	vst v63  }
0x39: {  	_ =	swait.ge [sflag:s26], $0x6400  }
0x3a: {  	[sflag:s26] =	ssyncset.done $0x0  }
0x3b: {  	s29 =	simm.s32 $0x578;
	[sflag:s26] =	ssyncadd.s32 $0xFFFF9C00  }
0x3c: {  	[tilespmem:s18], [sflag:$0x4] =	stream.indirect.gather [hbm4b:s1+s12], $0x80, s29, s12, $0xb8;
	[tilespmem:$0x1A900] =	vst v63  }
0x3d: {  	_ =	swait.ge [sflag:s19], $0x6400  }
0x3e: {  	s30 =	sadd.s32 $0x0, s10;
	[sflag:s19] =	ssyncset.done $0x0  }
0x3f: {  	s29 =	sadd.s32 $0x3200, s30;
	[sflag:s19] =	ssyncadd.s32 $0xFFFF9C00  }
0x40: {  	[hbm4b:s29+s3] =	stream.linear.scatter [tilespmem:s13], [sflag:$0x5], $0x6400, $0x38;
	[tilespmem:$0x1A900] =	vst v63  }
0x41: {  	_ =	swait.ge [sflag:s20], $0x6400  }
0x42: {  	[sflag:s20] =	ssyncset.done $0x0  }
0x43: {  	s29 =	sadd.s32 $0x3E80, s30;
	[sflag:s20] =	ssyncadd.s32 $0xFFFF9C00  }
0x44: {  	[hbm4b:s29+s3] =	stream.linear.scatter [tilespmem:s14], [sflag:$0x6], $0x6400, $0x38;
	[tilespmem:$0x1A900] =	vst v63  }
0x45: {  	_ =	swait.ge [sflag:s21], $0x6400  }
0x46: {  	[sflag:s21] =	ssyncset.done $0x0  }
0x47: {  	s29 =	sadd.s32 $0x4B00, s30;
	[sflag:s21] =	ssyncadd.s32 $0xFFFF9C00  }
0x48: {  	[hbm4b:s29+s3] =	stream.linear.scatter [tilespmem:s16], [sflag:$0x7], $0x6400, $0x38;
	[tilespmem:$0x1A900] =	vst v63  }
0x49: {  	_ =	swait.ge [sflag:s22], $0x6400  }
0x4a: {  	s31 =	sadd.s32 $0x5780, s30;
	[sflag:s22] =	ssyncset.done $0x0  }
0x4b: {  	s30 =	simm.s32 $0x898;
	s29 =	simm.s32 $0x3200;
	[sflag:s22] =	ssyncadd.s32 $0xFFFF9C00  }
.LBB2_2:
0x4c: {  	[hbm4b:s31+s3] =	stream.linear.scatter [tilespmem:s18], [sflag:$0x8], $0x6400, $0x38;
	[tilespmem:$0x1A900] =	vst v63  }
0x4d: {  	s31 =	smov.u32 s29  }
0x4e: {  	p0 =	sne.s32 s29, $0x12C00;
	s29 =	sadd.s32 $0x3200, s29;
	_ =	swait.ge [sflag:s23], $0x6400  }
0x4f: {  	[sflag:s23] =	ssyncset.done $0x0  }
0x50: {  	s2 =	sadd.s32 $0xFFFFFDA8, s30;
	[sflag:s23] =	ssyncadd.s32 $0xFFFF9C00  }
0x51: {  	[tilespmem:s13], [sflag:$0x1] =	stream.indirect.gather [hbm4b:s1+s12], $0x80, s2, s12, $0xb8;
	[tilespmem:$0x1A900] =	vst v63  }
0x52: {  	_ =	swait.ge [sflag:s24], $0x6400  }
0x53: {  	[sflag:s24] =	ssyncset.done $0x0  }
0x54: {  	s2 =	sadd.s32 $0xFFFFFE70, s30;
	[sflag:s24] =	ssyncadd.s32 $0xFFFF9C00  }
0x55: {  	[tilespmem:s14], [sflag:$0x2] =	stream.indirect.gather [hbm4b:s1+s12], $0x80, s2, s12, $0xb8;
	[tilespmem:$0x1A900] =	vst v63  }
0x56: {  	_ =	swait.ge [sflag:s25], $0x6400  }
0x57: {  	[sflag:s25] =	ssyncset.done $0x0  }
0x58: {  	s2 =	sadd.s32 $0xFFFFFF38, s30;
	[sflag:s25] =	ssyncadd.s32 $0xFFFF9C00  }
0x59: {  	[tilespmem:s16], [sflag:$0x3] =	stream.indirect.gather [hbm4b:s1+s12], $0x80, s2, s12, $0xb8;
	[tilespmem:$0x1A900] =	vst v63  }
0x5a: {  	_ =	swait.ge [sflag:s26], $0x6400  }
0x5b: {  	[sflag:s26] =	ssyncset.done $0x0  }
0x5c: {  	[sflag:s26] =	ssyncadd.s32 $0xFFFF9C00  }
0x5d: {  	[tilespmem:s18], [sflag:$0x4] =	stream.indirect.gather [hbm4b:s1+s12], $0x80, s30, s12, $0xb8;
	[tilespmem:$0x1A900] =	vst v63  }
0x5e: {  	_ =	swait.ge [sflag:s19], $0x6400  }
0x5f: {  	s2 =	sadd.s32 s31, s10;
	[sflag:s19] =	ssyncset.done $0x0  }
0x60: {  	s31 =	sadd.s32 $0x3200, s2;
	[sflag:s19] =	ssyncadd.s32 $0xFFFF9C00  }
0x61: {  	[hbm4b:s31+s3] =	stream.linear.scatter [tilespmem:s13], [sflag:$0x5], $0x6400, $0x38;
	[tilespmem:$0x1A900] =	vst v63  }
0x62: {  	_ =	swait.ge [sflag:s20], $0x6400  }
0x63: {  	[sflag:s20] =	ssyncset.done $0x0  }
0x64: {  	s31 =	sadd.s32 $0x3E80, s2;
	[sflag:s20] =	ssyncadd.s32 $0xFFFF9C00  }
0x65: {  	[hbm4b:s31+s3] =	stream.linear.scatter [tilespmem:s14], [sflag:$0x6], $0x6400, $0x38;
	[tilespmem:$0x1A900] =	vst v63  }
0x66: {  	_ =	swait.ge [sflag:s21], $0x6400  }
0x67: {  	[sflag:s21] =	ssyncset.done $0x0  }
.Ltmp0:
0x68: {  	s31 =	sadd.s32 $0x4B00, s2;
	[sflag:s21] =	ssyncadd.s32 $0xFFFF9C00;
	(pc) =	sbr.rel @p0 .LBB2_2-.Ltmp0, $4  }
0x69: {  	[hbm4b:s31+s3] =	stream.linear.scatter [tilespmem:s16], [sflag:$0x7], $0x6400, $0x38;
	[tilespmem:$0x1A900] =	vst v63  }
0x6a: {  	_ =	swait.ge [sflag:s22], $0x6400  }
0x6b: {  	[sflag:s22] =	ssyncset.done $0x0  }
0x6c: {  	s30 =	sadd.s32 $0x320, s30;
	s31 =	sadd.s32 $0x5780, s2;
	[sflag:s22] =	ssyncadd.s32 $0xFFFF9C00  }
0x6d: {  	[hbm4b:s31+s3] =	stream.linear.scatter [tilespmem:s18], [sflag:$0x8], $0x6400, $0x38;
	[tilespmem:$0x1A900] =	vst v63  }
0x6e: {  	_ =	swait.ge [sflag:s23], $0x6400  }
0x6f: {  	[sflag:s23] =	ssyncset.done $0x0  }
0x70: {  	[sflag:s23] =	ssyncadd.s32 $0xFFFF9C00  }
0x71: {  	_ =	swait.ge [sflag:s24], $0x6400  }
0x72: {  	[sflag:s24] =	ssyncset.done $0x0  }
0x73: {  	s28 =	sadd.s32 $0x1, s28;
	[sflag:s24] =	ssyncadd.s32 $0xFFFF9C00  }
0x74: {  	p0 =	sne.s32 s28, s9;
	_ =	swait.ge [sflag:s25], $0x6400  }
.Ltmp1:
0x75: {  	[sflag:s25] =	ssyncset.done $0x0;
	(pc) =	sbr.rel @p0 .LBB2_1-.Ltmp1, $4  }
0x76: {  	[sflag:s25] =	ssyncadd.s32 $0xFFFF9C00  }
0x77: {  	_ =	swait.ge [sflag:s26], $0x6400  }
0x78: {  	[sflag:s26] =	ssyncset.done $0x0  }
0x79: {  	[sflag:s26] =	ssyncadd.s32 $0xFFFF9C00  }
0x7a: {  	_ =	sfence.sel $0x180000  }
0x7b: {  	[bflag:$0x0] =	sbarrier.arrive $0xFFFF  }
0x7c: {  	_ =	strace $0x90000047  }
0x7d: {  	[bflag:$0x2] =	sbarrier.arrive $0xFFFF  }
0x7e: {  	p0 =	sne.s32 s0, $0x0;
	s0 =	rddreg [dreg:$0x3]  }
0x7f: {  	s0 =	sadd.s32 @!p0 $0x100000, s0  }
0x80: {  	[sflag:s0] =	ssyncadd.tile.s32 @!p0 $0x1;
	_ =	shalt  }
.Lfunc_end2:
_tile_overlayer_lowered:
.L_overlay_start_2:
0x81: {  	(tag) =	ssettag $0x2  }
0x82: {  	s0 =	rddreg [dreg:$0x0];
	s2 =	stileid.u32  }
0x83: {  	s1 =	rddreg [dreg:$0x1];
	p0 =	sne.s32 s2, $0x0  }
0x84: {  	s3 =	rddreg [dreg:$0x2];
	[bflag:$0x3] =	sbarrier.arrive $0xFFFF;
	s2 =	simm.s32 @!p0 $0x1C09  }
0x85: {  	[timem:s3], [sflag:s2] =	dma.local @!p0 [hbm:s0], s1  }
0x86: {  	s0 =	simm.s32 @!p0 $0x9  }
0x87: {  	_ =	swait.ge @!p0 [sflag:s0], s1  }
0x88: {  	s1 =	ssub.s32 @!p0 $0x0, s1;
	[sflag:s0] =	ssyncset.done @!p0 $0x0  }
0x89: {  	[sflag:s0] =	ssyncadd.s32 @!p0 s1  }
0x8a: {  	[bflag:$0x3] =	sbarrier.arrive $0xFFFF  }
0x8b: {  	_ =	shalt  }

// kernel: sparse-core-data-format-call.cloned.1.call-start
scs
called_computation_lowered:
.L_overlay_start_0:
0x0: {  	s1 =	sld [smem:$0x3FD9]  }
0x1: {  	s2 =	sld [smem:$0x3FFE];
	_ =	sdelay $0x1  }
0x2: {  	s3 =	srdreg.scid  }
0x3: {  	s0 =	sand.u32 $0x1, s3  }
0x4: {  	s17 =	sshll.u32 s0, $0xA;
	s1 =	sadd.s32 s2, s1  }
0x5: {  	s1 =	sadd.s32 s1, s17  }
0x6: {  	[smem:$0x3FC5] =	sst s1  }
0x7: {  	_ = 	snop  }
0x8: {  	(tm) =	ssettm $0x1  }
0x9: {  	s18 =	sld [smem:$0x3FFB];
	_ =	sdelay $0x3  }
0xa: {  	_ =	strace s18  }
0xb: {  	s1 =	sld [smem:$0x3FFC];
	_ =	sdelay $0x3  }
0xc: {  	_ =	strace s1  }
0xd: {  	s1 =	sld [smem:$0x3FFD];
	_ =	sdelay $0x3  }
0xe: {  	_ =	strace s1  }
0xf: {  	_ =	strace $0x8FFFFFFF  }
0x10: {  	s19 =	sld [smem:$0x3FDB];
	_ =	sdelay $0x1  }
0x11: {  	s20 =	simm.s32 $_scs_section_size  }
0x12: {  	s4 =	simm.s32 $_size__tile_overlayer_lowered;
	s5 =	simm.s32 $_tile_overlayer_lowered  }
0x13: {  	s23 =	simm.s32 $0x1BFF;
	s22 =	sshll.u32 s5, $0x1;
	s1 =	sadd.s32 s20, s19  }
0x14: {  	s6 =	simm.s32 $0x0;
	s21 =	sshll.u32 s4, $0x1;
	s4 =	sadd.s32 s22, s1  }
0x15: {  	[timem:s6], [sflag:s23] =	dma.local [hbm:s4], s21  }
0x16: {  	_ =	swait.ge [sflag:s23], s21  }
0x17: {  	s2 =	ssub.s32 $0x0, s21;
	[sflag:s23] =	ssyncset.done $0x0  }
0x18: {  	[sflag:s23] =	ssyncadd.s32 s2;
	_ =	sdelay $0x1  }
0x19: {  	s24 =	simm.s32 $0x1B8B  }
0x1a: {  	_ =	swait.ge [sflag:s24], $0x1  }
0x1b: {  	[sflag:s24] =	ssyncset.done $0x0  }
0x1c: {  	s26 =	simm.s32 $0x1B8E;
	s25 =	sld [smem:$0x3FFE];
	[sflag:s24] =	ssyncadd.s32 $0xFFFFFFFF  }
0x1d: {  	s27 =	simm.s32 $execute0_lowered;
	[smem:$0x3FD2] =	sst s26  }
0x1e: {  	s4 =	sshll.u32 s27, $0x1;
	_ =	strace $0x80000049;
	[dreg:$0x1] =	wrdreg $0xFFFFFFFF  }
0x1f: {  	s28 =	simm.s32 $_size_execute0_lowered;
	s1 =	sadd.s32 s1, s4;
	[dreg:$0x0] =	wrdreg $0x0  }
0x20: {  	s4 =	sshll.u32 s28, $0x1;
	[dreg:$0x2] =	wrdreg s1  }
0x21: {  	[dreg:$0x3] =	wrdreg s4  }
0x22: {  	[dreg:$0x4] =	wrdreg $0xC0  }
0x23: {  	_ =	task [dreg:s6], $0x5FFFF  }
0x24: {  	[dreg:$0x1] =	wrdreg $0xFFFFFFFF  }
0x25: {  	[dreg:$0x0] =	wrdreg $0x60  }
0x26: {  	[dreg:$0x2] =	wrdreg s25  }
0x27: {  	[dreg:$0x3] =	wrdreg $0x9  }
0x28: {  	_ =	task.clear_ibuf [dreg:s6], $0x4FFFF;
	_ =	strace $0x90000049  }
0x29: {  	s29 =	simm.s32 $0x9;
	_ =	strace $0x8000004B  }
0x2a: {  	_ =	swait.ge [sflag:s29], $0x1  }
0x2b: {  	[sflag:s29] =	ssyncadd.s32 $0xFFFFFFFF  }
0x2c: {  	_ =	strace $0x9000004B  }
0x2d: {  	_ =	sfence  }
0x2e: {  	s30 =	sld [smem:$0x0];
	_ =	sdelay $0x2  }
0x2f: {  	s31 =	sshll.u32 s3, $0xD;
	s3 =	sshrl.u32 s3, $0x2  }
0x30: {  	s2 =	sand.u32 $0x4000, s31;
	s1 =	sadd.s32 s3, s30  }
0x31: {  	s0 =	sor.u32 s2, s0;
	s1 =	sshll.u32 s1, $0x11  }
0x32: {  	s0 =	sor.u32 s1, s0  }
0x33: {  	s0 =	sadd.s32 $0x8F2B, s0  }
0x34: {  	[sflag:s0] =	ssyncadd.remote.s32 $0x1  }
0x35: {  	_ =	sfence.sel $0xFFFF  }
0x36: {  	[dreg:$0x0] =	wrdreg $0xFFFFFFFF;
	(pc) =	sbr.abs _section_cstart, $3  }
0x37: {  	[dreg:$0x1] =	wrdreg $0xFFFFFFFF  }
0x38: {  	_ =	task.clear_ibuf [dreg:s6], $0x2FFFF;
	_ =	strace $0x9FFFFFFF  }
0x39: {  	(tm) =	ssettm $0x7FFFFFFF  }
tec
execute0_lowered:
.L_overlay_start_1:
0x0: {  	(tag) =	ssettag $0x1  }
0x1: {  	s0 =	srdreg.scid  }
0x2: {  	s1 =	sshll.u32 s0, $0x4  }
0x3: {  	s0 =	stileid.u32;
	s1 =	sand.u32 $0x10, s1  }
0x4: {  	s1 =	sor.u32 s0, s1  }
0x5: {  	s6 =	rddreg [dreg:$0x0];
	s7 =	simm.s32 $0x2;
	s2 =	sshll.u32 s1, $0x7  }
0x6: {  	s12 =	simm.s32 $0x0;
	s8 =	simm.s32 $0x8000;
	s1 =	ssub.s32 $0x1000, s2  }
0x7: {  	s13 =	simm.s32 $0x0;
	s9 =	simm.s32 $0x0;
	s3 =	sand.u32 $0xF80, s1  }
0x8: {  	s11 =	simm.s32 $0x0;
	p0 =	sne.s32 s3, $0x0;
	s3 =	simm.s32 $0x1  }
.Ltmp0:
0x9: {  	s4 =	sshrl.u32 s1, $0xC;
	s3 =	simm.s32 @!p0 $0x0;
	(pc) =	sbr.rel .LBB1_1-.Ltmp0, $4  }
0xa: {  	s5 =	sadd.s32 $0xA00, s6;
	s1 =	rddreg [dreg:$0x1];
	s4 =	sadd.s32 s3, s4  }
0xb: {  	_ =	strace $0x8000004A;
	s3 =	simm.s32 $0x1;
	s4 =	smul.u32 $0x32, s4  }
0xc: {  	s6 =	sadd.s32 $0x380A00, s6;
	s10 =	smov.u32 s2;
	[sflag:s3] =	ssyncpa.u1 $0x0  }
0xd: {  	p0 =	por $0x0, $0x0;
	[sflag:s7] =	ssyncpa.u1 $0x0;
	s7 =	sor.u32 $0x1, s4  }
.LBB1_4:
0xe: {  	v5 =	vld [tilespmem:s17+$0xFFFFFFD0];
	[tilespmem:s16+$0x2040 ss:$0x81] =	vst.msk $0xffff, v1  }
0xf: {  	v58 =	vld [tilespmem:s17+$0xFFFFFFE0];
	[tilespmem:s16+$0x2850 ss:$0x81] =	vst.msk $0xffff, v2  }
0x10: {  	s18 =	sshra.s32 s18, $0x2;
	v59 =	vld [tilespmem:s17+$0xFFFFFFF0];
	[tilespmem:s16+$0x3060 ss:$0x81] =	vst.msk $0xffff, v3  }
0x11: {  	v60 =	vld [tilespmem:s17+$0x0];
	[tilespmem:s16+$0x0 ss:$0x81] =	vst.msk $0xffff, v0;
	s15 =	sadd.s32 s18, s15  }
0x12: {  	v61 =	vld [tilespmem:s17+$0x10];
	[tilespmem:s15+$0x3870 ss:$0x81] =	vst.msk $0xffff, v4  }
0x13: {  	v62 =	vld [tilespmem:s17+$0x20];
	[tilespmem:s15+$0x810 ss:$0x81] =	vst.msk $0xffff, v5  }
0x14: {  	v63 =	vld [tilespmem:s17+$0xFFFFFFC0];
	[tilespmem:s15+$0x1020 ss:$0x81] =	vst.msk $0xffff, v58  }
0x15: {  	s28 =	sshll.u32 s13, $0x3;
	s29 =	sand.u32 $0x78, s13;
	[tilespmem:s15+$0x1830 ss:$0x81] =	vst.msk $0xffff, v59  }
0x16: {  	s30 =	sand.u32 $0xFE00, s13;
	s12 =	sshll.u32 s12, $0x10;
	s16 =	sand.u32 $0xC00, s28;
	[tilespmem:s15+$0x2040 ss:$0x81] =	vst.msk $0xffff, v60  }
0x17: {  	s31 =	sand.u32 $0x7, s13;
	s17 =	sadd.s32 s6, s30;
	s16 =	sor.u32 s29, s16;
	[tilespmem:s15+$0x2850 ss:$0x81] =	vst.msk $0xffff, v61  }
0x18: {  	s13 =	sshll.u32 s31, $0x12;
	s12 =	sadd.s32 s12, s17;
	s16 =	sshrl.u32 s16, $0x3;
	[tilespmem:s15+$0x3060 ss:$0x81] =	vst.msk $0xffff, v62  }
0x19: {  	s13 =	sor.u32 $0x400, s13;
	s12 =	sadd.s32 s16, s12;
	[tilespmem:s15+$0x0 ss:$0x81] =	vst.msk $0xffff, v63  }
0x1a: {  	[hbm4b:s12+s13] =	stream.strided.scatter [tilespmem:s14], [sflag:$0x2], $0x4000, s8, s13, $0x20;
	[tilespmem:$0x10100] =	vst v63  }
.LBB1_5:
0x1b: {  	s14 =	sadd.s32 $0x1, s9  }
0x1c: {  	s12 =	sadd.s32 $0x1000, s10;
	s16 =	smov.u32 s10;
	p2 =	sgt.s32 s14, $0x31  }
0x1d: {  	s16 =	smov.u32 @p2 s12  }
0x1e: {  	s14 =	simm.s32 @p2 $0x0;
	p2 =	sgt.s32 s16, $0xFFF  }
0x1f: {  	s16 =	smov.u32 @p2 s2;
	p2 =	sne.s32 s11, s7  }
.Ltmp1:
0x20: {  	p1 =	slt.u32 s11, $0x2;
	(pc) =	sbr.rel @!p2 .LBB1_6-.Ltmp1, $4  }
0x21: {  	s15 =	simm.s32 @!p1 $0x2  }
0x22: {  	s13 =	smov.u32 s10;
	p0 =	por !p0, !p0;
	_ =	swait.ge @!p1 [sflag:s15], $0x4000  }
0x23: {  	s12 =	smov.u32 s9;
	[sflag:s15] =	ssyncset.done @!p1 $0x0;
	s9 =	smov.u32 s14  }
0x24: {  	s11 =	sadd.s32 $0x1, s11;
	[sflag:s15] =	ssyncadd.s32 @!p1 $0xFFFFC000;
	s10 =	smov.u32 s16  }
.LBB1_1:
0x25: {  	p1 =	sge.u32 s11, s4  }
0x26: {  	s14 =	sand.u32 @!p1 $0x1FFFFFF, s9  }
0x27: {  	s15 =	smulhi.u32 @!p1 $0x4924925, s14;
	_ =	sdelay $0x1  }
0x28: {  	s15 =	smul.u32 @!p1 $0x38, s15  }
0x29: {  	s16 =	sxor.u32 @!p1 $0xFFFFFFFF, s11;
	s17 =	smul.u32 @!p1 $0x380, s10  }
0x2a: {  	s31 =	sadd.s32 $0xFFFFFFFF, s11;
	s16 =	sshll.u32 @!p1 s16, $0xE;
	s14 =	ssub.s32 @!p1 s14, s15  }
0x2b: {  	s15 =	sand.u32 @!p1 $0x4000, s16;
	s16 =	sadd.s32 @!p1 s5, s17;
	s14 =	sshll.u32 @!p1 s14, $0x4  }
0x2c: {  	s17 =	simm.s32 @!p1 $0x1C00;
	s14 =	sadd.s32 @!p1 s14, s16;
	s16 =	simm.s32 @!p1 $0x80  }
0x2d: {  	[tilespmem:s15], [sflag:$0x1] =	stream.strided.gather @!p1 [hbm4b:s14+s16], $0x4000, s17, s16, $0x38;
	[tilespmem:$0x10100] =	vst v63  }
0x2e: {  	p1 =	sge.u32 s31, s4  }
.Ltmp2:
0x2f: {  	_ = 	snop;
	(pc) =	sbr.rel @p1 .LBB1_5-.Ltmp2, $1  }
0x30: {  	_ =	sdelay $0x3  }
0x31: {  	s14 =	simm.s32 $0x1  }
0x32: {  	_ =	swait.ge [sflag:s3], $0x4000;
	s14 =	simm.s32 @!p0 $0x0  }
0x33: {  	[sflag:s3] =	ssyncset.done $0x0;
	s15 =	sshll.u32 s14, $0xE  }
0x34: {  	[sflag:s3] =	ssyncadd.s32 $0xFFFFC000;
	s17 =	sor.u32 $0x40, s15  }
0x35: {  	s14 =	smul.u32 $0x10200, s14;
	v0 =	vld [tilespmem:s17+$0x30]  }
0x36: {  	v3 =	vld [tilespmem:s17+$0xFFFFFFD0]  }
0x37: {  	s14 =	sshrl.u32 s14, $0x2;
	v4 =	vld [tilespmem:s17+$0xFFFFFFE0]  }
0x38: {  	v5 =	vld [tilespmem:s17+$0xFFFFFFF0];
	s15 =	sor.u32 $0x8000, s14  }
0x39: {  	s31 =	sand.u32 $0x1, s11;
	v1 =	vld [tilespmem:s17+$0x0];
	s16 =	sadd.s32 $0x0, s15  }
0x3a: {  	v2 =	vld [tilespmem:s17+$0x10];
	s14 =	smul.u32 $0x10200, s31;
	[tilespmem:s16+$0x3870 ss:$0x81] =	vst.msk $0xffff, v0  }
0x3b: {  	[tilespmem:s16+$0x810 ss:$0x81] =	vst.msk $0xffff, v3;
	v3 =	vld [tilespmem:s17+$0x20]  }
0x3c: {  	s14 =	sshrl.u32 s14, $0x2;
	v0 =	vld [tilespmem:s17+$0xFFFFFFC0];
	[tilespmem:s16+$0x1020 ss:$0x81] =	vst.msk $0xffff, v4;
	s17 =	sadd.s32 $0x80, s17  }
0x3d: {  	s18 =	simm.s32 $0x4;
	s19 =	simm.s32 $0x8;
	s14 =	sor.u32 $0x8000, s14;
	[tilespmem:s16+$0x1830 ss:$0x81] =	vst.msk $0xffff, v5;
	v4 =	vld [tilespmem:s17+$0x30]  }
.LBB1_3:
0x3e: {  	p1 =	sne.s32 s19, $0x1FC;
	v5 =	vld [tilespmem:s17+$0xFFFFFFD0];
	[tilespmem:s16+$0x2040 ss:$0x81] =	vst.msk $0xffff, v1  }
0x3f: {  	v6 =	vld [tilespmem:s17+$0xFFFFFFE0];
	[tilespmem:s16+$0x2850 ss:$0x81] =	vst.msk $0xffff, v2  }
0x40: {  	s20 =	sshra.s32 s18, $0x2;
	s18 =	smov.u32 s19;
	v7 =	vld [tilespmem:s17+$0xFFFFFFF0];
	[tilespmem:s16+$0x3060 ss:$0x81] =	vst.msk $0xffff, v3  }
.Ltmp3:
0x41: {  	v1 =	vld [tilespmem:s17+$0x0];
	[tilespmem:s16+$0x0 ss:$0x81] =	vst.msk $0xffff, v0;
	s16 =	sadd.s32 s20, s15;
	(pc) =	sbr.rel @p1 .LBB1_3-.Ltmp3, $4  }
0x42: {  	v2 =	vld [tilespmem:s17+$0x10];
	[tilespmem:s16+$0x3870 ss:$0x81] =	vst.msk $0xffff, v4  }
0x43: {  	[tilespmem:s16+$0x810 ss:$0x81] =	vst.msk $0xffff, v5;
	v3 =	vld [tilespmem:s17+$0x20]  }
0x44: {  	v0 =	vld [tilespmem:s17+$0xFFFFFFC0];
	[tilespmem:s16+$0x1020 ss:$0x81] =	vst.msk $0xffff, v6;
	s17 =	sadd.s32 $0x80, s17  }
0x45: {  	s19 =	sadd.s32 $0x4, s19;
	v4 =	vld [tilespmem:s17+$0x30];
	[tilespmem:s16+$0x1830 ss:$0x81] =	vst.msk $0xffff, v7  }
.Ltmp4:
0x46: {  	_ = 	snop;
	(pc) =	sbr.rel .LBB1_4-.Ltmp4, $1  }
0x47: {  	_ =	sdelay $0x3  }
.LBB1_6:
0x48: {  	_ =	sfence.sel $0x180000  }
0x49: {  	s2 =	simm.s32 $0x1;
	[bflag:$0x0] =	sbarrier.arrive $0xFFFF  }
0x4a: {  	s31 =	simm.s32 $0x2;
	[sflag:s2] =	ssyncpa.u1 $0x1  }
0x4b: {  	[sflag:s31] =	ssyncpa.u1 $0x1  }
0x4c: {  	p0 =	sne.s32 s0, $0x0;
	_ =	strace $0x9000004A  }
0x4d: {  	s0 =	sadd.s32 @!p0 $0x100000, s1;
	[bflag:$0x2] =	sbarrier.arrive $0xFFFF  }
0x4e: {  	[sflag:s0] =	ssyncadd.tile.s32 @!p0 $0x1;
	_ =	shalt  }
.Lfunc_end1:
_tile_overlayer_lowered:
.L_overlay_start_2:
0x4f: {  	(tag) =	ssettag $0x2  }
0x50: {  	s0 =	rddreg [dreg:$0x0];
	s2 =	stileid.u32  }
0x51: {  	s1 =	rddreg [dreg:$0x1];
	p0 =	sne.s32 s2, $0x0  }
0x52: {  	s3 =	rddreg [dreg:$0x2];
	[bflag:$0x3] =	sbarrier.arrive $0xFFFF;
	s2 =	simm.s32 @!p0 $0x1C01  }
0x53: {  	[timem:s3], [sflag:s2] =	dma.local @!p0 [hbm:s0], s1  }
0x54: {  	s0 =	simm.s32 @!p0 $0x1  }
0x55: {  	_ =	swait.ge @!p0 [sflag:s0], s1  }
0x56: {  	s1 =	ssub.s32 @!p0 $0x0, s1;
	[sflag:s0] =	ssyncset.done @!p0 $0x0  }
0x57: {  	[sflag:s0] =	ssyncadd.s32 @!p0 s1  }
0x58: {  	[bflag:$0x3] =	sbarrier.arrive $0xFFFF  }
0x59: {  	_ =	shalt  }

</sc_bundles>
